<compile_context>
chip_gen: v7x
topology: tpu7x:2x2x1
jax: 0.10.2.dev20260603
libtpu: 0.0.44.dev20260713+nightly
codegen_flags: <defaults>
</compile_context>

<pallas_src>
import dataclasses
import functools

import jax
import jax.numpy as jnp
from jax import lax
from jax.experimental import pallas as pl
from jax.experimental.pallas import tpu as pltpu
from jax.experimental.pallas import tpu_sc as plsc

NBLK = 8192
NTILES = 32
LANES = 16


def _tc_body(spikes_ref, ratesT_ref, out_ref):
    i = pl.program_id(0)

    r = ratesT_ref[...]
    k = r.shape[0]

    norm = jnp.sum(jnp.abs(r), axis=0, keepdims=True)
    mx = jnp.max(r, axis=0, keepdims=True)
    sub = jax.lax.broadcasted_iota(jnp.int32, r.shape, 0)
    idx = jnp.min(jnp.where(r == mx, sub, k), axis=0, keepdims=True)
    w = mx / jnp.maximum(norm, 1e-12)

    oh = jnp.where(sub == idx, w, 0.0).astype(jnp.bfloat16)

    part = jax.lax.dot_general(
        spikes_ref[...].astype(jnp.bfloat16), oh, (((1,), (1,)), ((), ())),
        preferred_element_type=jnp.float32)

    @pl.when(i == 0)
    def _():
        out_ref[...] = jnp.zeros_like(out_ref)

    out_ref[...] += part


def _tc_logits(spikes, ratesT):
    b, n = spikes.shape
    k = ratesT.shape[0]
    return pl.pallas_call(
        _tc_body,
        grid=(n // NBLK,),
        in_specs=[
            pl.BlockSpec((b, NBLK), lambda i: (0, i)),
            pl.BlockSpec((k, NBLK), lambda i: (0, i)),
        ],
        out_specs=pl.BlockSpec((b, k), lambda i: (0, 0)),
        out_shape=jax.ShapeDtypeStruct((b, k), jnp.float32),
        compiler_params=pltpu.CompilerParams(
            dimension_semantics=("arbitrary",),
        ),
    )(spikes, ratesT)


def _sc_bincount(rates):
    n, k = rates.shape
    ch = n // NTILES
    mesh = plsc.VectorSubcoreMesh(core_axis_name="c", subcore_axis_name="s")
    cp = pltpu.CompilerParams()
    if "needs_layout_passes" in pltpu.CompilerParams.__dataclass_fields__:
        cp = dataclasses.replace(cp, needs_layout_passes=False)

    @functools.partial(
        pl.kernel,
        mesh=mesh,
        compiler_params=cp,
        out_type=jax.ShapeDtypeStruct((NTILES, k * LANES), jnp.float32),
        scratch_types=[
            pltpu.VMEM((ch * k,), jnp.float32),
            pltpu.VMEM((k * LANES,), jnp.float32),
        ],
    )
    def sc_kernel(rates_hbm, out_hbm, chunk_v, hist_v):
        wid = lax.axis_index("s") * 2 + lax.axis_index("c")
        pltpu.sync_copy(rates_hbm.at[pl.ds(wid * (ch * k), ch * k)], chunk_v)

        lane_iota = lax.broadcasted_iota(jnp.int32, (LANES,), 0)

        def group(g, hist):
            ib = lane_iota * k + g * (LANES * k)
            m = plsc.load_gather(chunk_v, [ib])
            a = jnp.zeros((LANES,), jnp.int32)
            for kk in range(1, k):
                v = plsc.load_gather(chunk_v, [ib + kk])
                gt = v > m
                m = jnp.where(gt, v, m)
                a = jnp.where(gt, kk, a)
            return tuple(
                hist[kk] + jnp.where(a == kk, 1.0, 0.0) for kk in range(k))

        hist0 = tuple(jnp.zeros((LANES,), jnp.float32) for _ in range(k))
        hist = lax.fori_loop(0, ch // LANES, group, hist0)
        for kk in range(k):
            hist_v[pl.ds(kk * LANES, LANES)] = hist[kk]
        pltpu.sync_copy(hist_v, out_hbm.at[wid])

    return sc_kernel(rates.reshape(-1))


def kernel(spikes, rates):
    ratesT = rates.T
    raw = _tc_logits(spikes, ratesT)
    partials = _sc_bincount(rates)
    k = rates.shape[1]
    counts = jnp.sum(partials.reshape(NTILES, k, LANES), axis=(0, 2))
    return jnp.where(counts > 0.0, raw / counts, 0.0)

# --- scband reference (transcript-rebuilt; emitter-appended) ---
"""Pipeline reference for scband-rate-classifier-78606491451945 (READ-ONLY COPY).

The authoritative reference and input builder live on the scoring server;
editing this copy changes nothing except your own understanding.
"""

import jax, jax.numpy as jnp
import numpy as np

N = 65536
K = 10
B = 256

def setup_inputs(seed: int = 0) -> dict:
    key = jax.random.key(seed)
    k1, k2 = jax.random.split(key)
    spikes = jax.random.uniform(k1, (B, N), dtype=jnp.float32)
    # learned/stateful parameter: per-neuron, per-class rates (rates_ in the module)
    rates = jax.random.uniform(k2, (N, K), dtype=jnp.float32)
    return {"spikes": spikes, "rates": rates}

def reference(spikes, rates):
    # Derived state, as set via the `rates` property setter:
    #   proportions = F.normalize(rates, p=1, dim=-1)
    #   assignments = argmax(proportions, dim=-1)
    #   occurances  = bincount(assignments, minlength=K)
    norm = jnp.sum(jnp.abs(rates), axis=-1, keepdims=True)
    props = rates / jnp.maximum(norm, 1e-12)
    assigns = jnp.argmax(props, axis=-1)
    counts = jnp.bincount(assigns.reshape(-1), length=K)
    # infer(spikes, proportional=True, logits=True)
    assocs = jax.nn.one_hot(assigns.reshape(-1), K, dtype=jnp.float32)
    assocs = assocs * props.reshape(-1, K)
    logits = jnp.matmul(spikes.reshape(spikes.shape[0], -1), assocs)
    logits = logits / counts.astype(jnp.float32)
    logits = jnp.nan_to_num(logits)
    return logits

if False:  # reference __main__ guard neutralized (emitter)
    out = reference(**setup_inputs())
    print(out.shape, out.dtype)

if __name__ == "__main__":
    import jax
    _d = setup_inputs()
    print(jax.jit(kernel)(*tuple(_d.values())))

</pallas_src>

<mosaic_0001>
#map = affine_map<(d0, d1) -> (0)>
#map1 = affine_map<(d0, d1) -> (0, 0)>
module attributes {stable_mosaic.version = 14 : i64} {
  func.func @sc_kernel(%arg0: i32, %arg1: i32, %arg2: memref<655360xf32, #tpu.memory_space<hbm>>, %arg3: memref<32x160xf32, #tpu.memory_space<hbm>>, %arg4: memref<20480xf32, #tpu.memory_space<vmem>>, %arg5: memref<160xf32, #tpu.memory_space<vmem>>) attributes {dimension_semantics = [#tpu.dimension_semantics<core_parallel>, #tpu.dimension_semantics<subcore_parallel>], iteration_bounds = array<i64: 2, 16>, scalar_prefetch = 0 : i64, scratch_operands = 2 : i64, tpu.core_type = #tpu.core_type<sc_vector_subcore>, window_params = [{transform_indices = #map}, {transform_indices = #map1}]} {
    %mul3A = arith.constant 2 : i32
    %mul3A_0 = arith.muli %arg1, %mul3A : i32
    %add3A = arith.addi %mul3A_0, %arg0 : i32
    %mul3A_1 = arith.constant 20480 : i32
    %mul3A_2 = arith.muli %add3A, %mul3A_1 : i32
    "tpu.region"() ({
      %run_scoped3A = tpu.sem_alloc : memref<!tpu.dma_semaphore, #tpu.memory_space<semaphore_mem>>
      %dma_start3A = tpu.memref_slice %arg2[%mul3A_2] : memref<655360xf32, #tpu.memory_space<hbm>> -> memref<20480xf32, #tpu.memory_space<hbm>>
      %dma_start3A_46 = tpu.memref_slice %arg2[%mul3A_2] : memref<655360xf32, #tpu.memory_space<hbm>> -> memref<20480xf32, #tpu.memory_space<hbm>>
      tpu.enqueue_dma source(%dma_start3A_46 : memref<20480xf32, #tpu.memory_space<hbm>>) target(%arg4 : memref<20480xf32, #tpu.memory_space<vmem>>) target_semaphore(%run_scoped3A : memref<!tpu.dma_semaphore, #tpu.memory_space<semaphore_mem>>)
      %dma_wait3A = tpu.memref_slice %arg2[%mul3A_2] : memref<655360xf32, #tpu.memory_space<hbm>> -> memref<20480xf32, #tpu.memory_space<hbm>>
      %dma_wait3A_47 = tpu.memref_slice %arg2[%mul3A_2] : memref<655360xf32, #tpu.memory_space<hbm>> -> memref<20480xf32, #tpu.memory_space<hbm>>
      tpu.wait_dma2 semaphore(%run_scoped3A : memref<!tpu.dma_semaphore, #tpu.memory_space<semaphore_mem>>) src(%dma_wait3A_47 : memref<20480xf32, #tpu.memory_space<hbm>>) dst(%arg4 : memref<20480xf32, #tpu.memory_space<vmem>>)
      tpu.yield
    }) : () -> ()
    %iota3A = tpu.iota {dimensions = array<i32: 0>} : vector<16xi32>
    %broadcast_in_dim3A = arith.constant 0.000000e+00 : f32
    %broadcast_in_dim3A_3 = vector.broadcast %broadcast_in_dim3A : f32 to vector<16xf32>
    %broadcast_in_dim3A_4 = arith.constant 0.000000e+00 : f32
    %broadcast_in_dim3A_5 = vector.broadcast %broadcast_in_dim3A_4 : f32 to vector<16xf32>
    %broadcast_in_dim3A_6 = arith.constant 0.000000e+00 : f32
    %broadcast_in_dim3A_7 = vector.broadcast %broadcast_in_dim3A_6 : f32 to vector<16xf32>
    %broadcast_in_dim3A_8 = arith.constant 0.000000e+00 : f32
    %broadcast_in_dim3A_9 = vector.broadcast %broadcast_in_dim3A_8 : f32 to vector<16xf32>
    %broadcast_in_dim3A_10 = arith.constant 0.000000e+00 : f32
    %broadcast_in_dim3A_11 = vector.broadcast %broadcast_in_dim3A_10 : f32 to vector<16xf32>
    %broadcast_in_dim3A_12 = arith.constant 0.000000e+00 : f32
    %broadcast_in_dim3A_13 = vector.broadcast %broadcast_in_dim3A_12 : f32 to vector<16xf32>
    %broadcast_in_dim3A_14 = arith.constant 0.000000e+00 : f32
    %broadcast_in_dim3A_15 = vector.broadcast %broadcast_in_dim3A_14 : f32 to vector<16xf32>
    %broadcast_in_dim3A_16 = arith.constant 0.000000e+00 : f32
    %broadcast_in_dim3A_17 = vector.broadcast %broadcast_in_dim3A_16 : f32 to vector<16xf32>
    %broadcast_in_dim3A_18 = arith.constant 0.000000e+00 : f32
    %broadcast_in_dim3A_19 = vector.broadcast %broadcast_in_dim3A_18 : f32 to vector<16xf32>
    %broadcast_in_dim3A_20 = arith.constant 0.000000e+00 : f32
    %broadcast_in_dim3A_21 = vector.broadcast %broadcast_in_dim3A_20 : f32 to vector<16xf32>
    %scan3A = arith.constant 0 : i32
    %scan3A_22 = arith.constant 128 : i32
    %scan3A_23 = arith.addi %scan3A, %scan3A_22 : i32
    %scan3A_24 = arith.constant 1 : i32
    %scan3A_25:10 = scf.for %scan3A_46 = %scan3A to %scan3A_23 step %scan3A_24 iter_args(%scan3A_47 = %broadcast_in_dim3A_3, %scan3A_48 = %broadcast_in_dim3A_5, %scan3A_49 = %broadcast_in_dim3A_7, %scan3A_50 = %broadcast_in_dim3A_9, %scan3A_51 = %broadcast_in_dim3A_11, %scan3A_52 = %broadcast_in_dim3A_13, %scan3A_53 = %broadcast_in_dim3A_15, %scan3A_54 = %broadcast_in_dim3A_17, %scan3A_55 = %broadcast_in_dim3A_19, %scan3A_56 = %broadcast_in_dim3A_21) -> (vector<16xf32>, vector<16xf32>, vector<16xf32>, vector<16xf32>, vector<16xf32>, vector<16xf32>, vector<16xf32>, vector<16xf32>, vector<16xf32>, vector<16xf32>)  : i32 {
      %mul3A_57 = arith.constant 10 : i32
      %mul3A_58 = vector.broadcast %mul3A_57 : i32 to vector<16xi32>
      %mul3A_59 = arith.muli %iota3A, %mul3A_58 : vector<16xi32>
      %mul3A_60 = arith.constant 160 : i32
      %mul3A_61 = arith.muli %scan3A_46, %mul3A_60 : i32
      %add3A_62 = vector.broadcast %mul3A_61 : i32 to vector<16xi32>
      %add3A_63 = arith.addi %mul3A_59, %add3A_62 : vector<16xi32>
      %gather3A = tpu.vector_load_idx %arg4[%add3A_63] : memref<20480xf32, #tpu.memory_space<vmem>>[vector<16xi32>], vector<16xf32>,
      %broadcast_in_dim3A_64 = arith.constant 0 : i32
      %broadcast_in_dim3A_65 = vector.broadcast %broadcast_in_dim3A_64 : i32 to vector<16xi32>
      %add3A_66 = arith.constant 1 : i32
      %add3A_67 = vector.broadcast %add3A_66 : i32 to vector<16xi32>
      %add3A_68 = arith.addi %add3A_63, %add3A_67 : vector<16xi32>
      %gather3A_69 = tpu.vector_load_idx %arg4[%add3A_68] : memref<20480xf32, #tpu.memory_space<vmem>>[vector<16xi32>], vector<16xf32>,
      %gt3A = arith.cmpf ogt, %gather3A_69, %gather3A : vector<16xf32>
      %select_n3A = arith.select %gt3A, %gather3A_69, %gather3A : vector<16xi1>, vector<16xf32>
      %jit3A = arith.constant 1 : i32
      %broadcast_in_dim3A_70 = vector.broadcast %jit3A : i32 to vector<16xi32>
      %select_n3A_71 = arith.select %gt3A, %broadcast_in_dim3A_70, %broadcast_in_dim3A_65 : vector<16xi1>, vector<16xi32>
      %add3A_72 = arith.constant 2 : i32
      %add3A_73 = vector.broadcast %add3A_72 : i32 to vector<16xi32>
      %add3A_74 = arith.addi %add3A_63, %add3A_73 : vector<16xi32>
      %gather3A_75 = tpu.vector_load_idx %arg4[%add3A_74] : memref<20480xf32, #tpu.memory_space<vmem>>[vector<16xi32>], vector<16xf32>,
      %gt3A_76 = arith.cmpf ogt, %gather3A_75, %select_n3A : vector<16xf32>
      %select_n3A_77 = arith.select %gt3A_76, %gather3A_75, %select_n3A : vector<16xi1>, vector<16xf32>
      %jit3A_78 = arith.constant 2 : i32
      %broadcast_in_dim3A_79 = vector.broadcast %jit3A_78 : i32 to vector<16xi32>
      %select_n3A_80 = arith.select %gt3A_76, %broadcast_in_dim3A_79, %select_n3A_71 : vector<16xi1>, vector<16xi32>
      %add3A_81 = arith.constant 3 : i32
      %add3A_82 = vector.broadcast %add3A_81 : i32 to vector<16xi32>
      %add3A_83 = arith.addi %add3A_63, %add3A_82 : vector<16xi32>
      %gather3A_84 = tpu.vector_load_idx %arg4[%add3A_83] : memref<20480xf32, #tpu.memory_space<vmem>>[vector<16xi32>], vector<16xf32>,
      %gt3A_85 = arith.cmpf ogt, %gather3A_84, %select_n3A_77 : vector<16xf32>
      %select_n3A_86 = arith.select %gt3A_85, %gather3A_84, %select_n3A_77 : vector<16xi1>, vector<16xf32>
      %jit3A_87 = arith.constant 3 : i32
      %broadcast_in_dim3A_88 = vector.broadcast %jit3A_87 : i32 to vector<16xi32>
      %select_n3A_89 = arith.select %gt3A_85, %broadcast_in_dim3A_88, %select_n3A_80 : vector<16xi1>, vector<16xi32>
      %add3A_90 = arith.constant 4 : i32
      %add3A_91 = vector.broadcast %add3A_90 : i32 to vector<16xi32>
      %add3A_92 = arith.addi %add3A_63, %add3A_91 : vector<16xi32>
      %gather3A_93 = tpu.vector_load_idx %arg4[%add3A_92] : memref<20480xf32, #tpu.memory_space<vmem>>[vector<16xi32>], vector<16xf32>,
      %gt3A_94 = arith.cmpf ogt, %gather3A_93, %select_n3A_86 : vector<16xf32>
      %select_n3A_95 = arith.select %gt3A_94, %gather3A_93, %select_n3A_86 : vector<16xi1>, vector<16xf32>
      %jit3A_96 = arith.constant 4 : i32
      %broadcast_in_dim3A_97 = vector.broadcast %jit3A_96 : i32 to vector<16xi32>
      %select_n3A_98 = arith.select %gt3A_94, %broadcast_in_dim3A_97, %select_n3A_89 : vector<16xi1>, vector<16xi32>
      %add3A_99 = arith.constant 5 : i32
      %add3A_100 = vector.broadcast %add3A_99 : i32 to vector<16xi32>
      %add3A_101 = arith.addi %add3A_63, %add3A_100 : vector<16xi32>
      %gather3A_102 = tpu.vector_load_idx %arg4[%add3A_101] : memref<20480xf32, #tpu.memory_space<vmem>>[vector<16xi32>], vector<16xf32>,
      %gt3A_103 = arith.cmpf ogt, %gather3A_102, %select_n3A_95 : vector<16xf32>
      %select_n3A_104 = arith.select %gt3A_103, %gather3A_102, %select_n3A_95 : vector<16xi1>, vector<16xf32>
      %jit3A_105 = arith.constant 5 : i32
      %broadcast_in_dim3A_106 = vector.broadcast %jit3A_105 : i32 to vector<16xi32>
      %select_n3A_107 = arith.select %gt3A_103, %broadcast_in_dim3A_106, %select_n3A_98 : vector<16xi1>, vector<16xi32>
      %add3A_108 = arith.constant 6 : i32
      %add3A_109 = vector.broadcast %add3A_108 : i32 to vector<16xi32>
      %add3A_110 = arith.addi %add3A_63, %add3A_109 : vector<16xi32>
      %gather3A_111 = tpu.vector_load_idx %arg4[%add3A_110] : memref<20480xf32, #tpu.memory_space<vmem>>[vector<16xi32>], vector<16xf32>,
      %gt3A_112 = arith.cmpf ogt, %gather3A_111, %select_n3A_104 : vector<16xf32>
      %select_n3A_113 = arith.select %gt3A_112, %gather3A_111, %select_n3A_104 : vector<16xi1>, vector<16xf32>
      %jit3A_114 = arith.constant 6 : i32
      %broadcast_in_dim3A_115 = vector.broadcast %jit3A_114 : i32 to vector<16xi32>
      %select_n3A_116 = arith.select %gt3A_112, %broadcast_in_dim3A_115, %select_n3A_107 : vector<16xi1>, vector<16xi32>
      %add3A_117 = arith.constant 7 : i32
      %add3A_118 = vector.broadcast %add3A_117 : i32 to vector<16xi32>
      %add3A_119 = arith.addi %add3A_63, %add3A_118 : vector<16xi32>
      %gather3A_120 = tpu.vector_load_idx %arg4[%add3A_119] : memref<20480xf32, #tpu.memory_space<vmem>>[vector<16xi32>], vector<16xf32>,
      %gt3A_121 = arith.cmpf ogt, %gather3A_120, %select_n3A_113 : vector<16xf32>
      %select_n3A_122 = arith.select %gt3A_121, %gather3A_120, %select_n3A_113 : vector<16xi1>, vector<16xf32>
      %jit3A_123 = arith.constant 7 : i32
      %broadcast_in_dim3A_124 = vector.broadcast %jit3A_123 : i32 to vector<16xi32>
      %select_n3A_125 = arith.select %gt3A_121, %broadcast_in_dim3A_124, %select_n3A_116 : vector<16xi1>, vector<16xi32>
      %add3A_126 = arith.constant 8 : i32
      %add3A_127 = vector.broadcast %add3A_126 : i32 to vector<16xi32>
      %add3A_128 = arith.addi %add3A_63, %add3A_127 : vector<16xi32>
      %gather3A_129 = tpu.vector_load_idx %arg4[%add3A_128] : memref<20480xf32, #tpu.memory_space<vmem>>[vector<16xi32>], vector<16xf32>,
      %gt3A_130 = arith.cmpf ogt, %gather3A_129, %select_n3A_122 : vector<16xf32>
      %select_n3A_131 = arith.select %gt3A_130, %gather3A_129, %select_n3A_122 : vector<16xi1>, vector<16xf32>
      %jit3A_132 = arith.constant 8 : i32
      %broadcast_in_dim3A_133 = vector.broadcast %jit3A_132 : i32 to vector<16xi32>
      %select_n3A_134 = arith.select %gt3A_130, %broadcast_in_dim3A_133, %select_n3A_125 : vector<16xi1>, vector<16xi32>
      %add3A_135 = arith.constant 9 : i32
      %add3A_136 = vector.broadcast %add3A_135 : i32 to vector<16xi32>
      %add3A_137 = arith.addi %add3A_63, %add3A_136 : vector<16xi32>
      %gather3A_138 = tpu.vector_load_idx %arg4[%add3A_137] : memref<20480xf32, #tpu.memory_space<vmem>>[vector<16xi32>], vector<16xf32>,
      %gt3A_139 = arith.cmpf ogt, %gather3A_138, %select_n3A_131 : vector<16xf32>
      %select_n3A_140 = arith.select %gt3A_139, %gather3A_138, %select_n3A_131 : vector<16xi1>, vector<16xf32>
      %jit3A_141 = arith.constant 9 : i32
      %broadcast_in_dim3A_142 = vector.broadcast %jit3A_141 : i32 to vector<16xi32>
      %select_n3A_143 = arith.select %gt3A_139, %broadcast_in_dim3A_142, %select_n3A_134 : vector<16xi1>, vector<16xi32>
      %eq3A = arith.constant 0 : i32
      %eq3A_144 = vector.broadcast %eq3A : i32 to vector<16xi32>
      %eq3A_145 = arith.cmpi eq, %select_n3A_143, %eq3A_144 : vector<16xi32>
      %jit3A_146 = arith.constant 1.000000e+00 : f32
      %jit3A_147 = arith.constant 0.000000e+00 : f32
      %broadcast_in_dim3A_148 = vector.broadcast %jit3A_146 : f32 to vector<16xf32>
      %broadcast_in_dim3A_149 = vector.broadcast %jit3A_147 : f32 to vector<16xf32>
      %select_n3A_150 = arith.select %eq3A_145, %broadcast_in_dim3A_148, %broadcast_in_dim3A_149 : vector<16xi1>, vector<16xf32>
      %add3A_151 = arith.addf %scan3A_47, %select_n3A_150 : vector<16xf32>
      %eq3A_152 = arith.constant 1 : i32
      %eq3A_153 = vector.broadcast %eq3A_152 : i32 to vector<16xi32>
      %eq3A_154 = arith.cmpi eq, %select_n3A_143, %eq3A_153 : vector<16xi32>
      %jit3A_155 = arith.constant 1.000000e+00 : f32
      %jit3A_156 = arith.constant 0.000000e+00 : f32
      %broadcast_in_dim3A_157 = vector.broadcast %jit3A_155 : f32 to vector<16xf32>
      %broadcast_in_dim3A_158 = vector.broadcast %jit3A_156 : f32 to vector<16xf32>
      %select_n3A_159 = arith.select %eq3A_154, %broadcast_in_dim3A_157, %broadcast_in_dim3A_158 : vector<16xi1>, vector<16xf32>
      %add3A_160 = arith.addf %scan3A_48, %select_n3A_159 : vector<16xf32>
      %eq3A_161 = arith.constant 2 : i32
      %eq3A_162 = vector.broadcast %eq3A_161 : i32 to vector<16xi32>
      %eq3A_163 = arith.cmpi eq, %select_n3A_143, %eq3A_162 : vector<16xi32>
      %jit3A_164 = arith.constant 1.000000e+00 : f32
      %jit3A_165 = arith.constant 0.000000e+00 : f32
      %broadcast_in_dim3A_166 = vector.broadcast %jit3A_164 : f32 to vector<16xf32>
      %broadcast_in_dim3A_167 = vector.broadcast %jit3A_165 : f32 to vector<16xf32>
      %select_n3A_168 = arith.select %eq3A_163, %broadcast_in_dim3A_166, %broadcast_in_dim3A_167 : vector<16xi1>, vector<16xf32>
      %add3A_169 = arith.addf %scan3A_49, %select_n3A_168 : vector<16xf32>
      %eq3A_170 = arith.constant 3 : i32
      %eq3A_171 = vector.broadcast %eq3A_170 : i32 to vector<16xi32>
      %eq3A_172 = arith.cmpi eq, %select_n3A_143, %eq3A_171 : vector<16xi32>
      %jit3A_173 = arith.constant 1.000000e+00 : f32
      %jit3A_174 = arith.constant 0.000000e+00 : f32
      %broadcast_in_dim3A_175 = vector.broadcast %jit3A_173 : f32 to vector<16xf32>
      %broadcast_in_dim3A_176 = vector.broadcast %jit3A_174 : f32 to vector<16xf32>
      %select_n3A_177 = arith.select %eq3A_172, %broadcast_in_dim3A_175, %broadcast_in_dim3A_176 : vector<16xi1>, vector<16xf32>
      %add3A_178 = arith.addf %scan3A_50, %select_n3A_177 : vector<16xf32>
      %eq3A_179 = arith.constant 4 : i32
      %eq3A_180 = vector.broadcast %eq3A_179 : i32 to vector<16xi32>
      %eq3A_181 = arith.cmpi eq, %select_n3A_143, %eq3A_180 : vector<16xi32>
      %jit3A_182 = arith.constant 1.000000e+00 : f32
      %jit3A_183 = arith.constant 0.000000e+00 : f32
      %broadcast_in_dim3A_184 = vector.broadcast %jit3A_182 : f32 to vector<16xf32>
      %broadcast_in_dim3A_185 = vector.broadcast %jit3A_183 : f32 to vector<16xf32>
      %select_n3A_186 = arith.select %eq3A_181, %broadcast_in_dim3A_184, %broadcast_in_dim3A_185 : vector<16xi1>, vector<16xf32>
      %add3A_187 = arith.addf %scan3A_51, %select_n3A_186 : vector<16xf32>
      %eq3A_188 = arith.constant 5 : i32
      %eq3A_189 = vector.broadcast %eq3A_188 : i32 to vector<16xi32>
      %eq3A_190 = arith.cmpi eq, %select_n3A_143, %eq3A_189 : vector<16xi32>
      %jit3A_191 = arith.constant 1.000000e+00 : f32
      %jit3A_192 = arith.constant 0.000000e+00 : f32
      %broadcast_in_dim3A_193 = vector.broadcast %jit3A_191 : f32 to vector<16xf32>
      %broadcast_in_dim3A_194 = vector.broadcast %jit3A_192 : f32 to vector<16xf32>
      %select_n3A_195 = arith.select %eq3A_190, %broadcast_in_dim3A_193, %broadcast_in_dim3A_194 : vector<16xi1>, vector<16xf32>
      %add3A_196 = arith.addf %scan3A_52, %select_n3A_195 : vector<16xf32>
      %eq3A_197 = arith.constant 6 : i32
      %eq3A_198 = vector.broadcast %eq3A_197 : i32 to vector<16xi32>
      %eq3A_199 = arith.cmpi eq, %select_n3A_143, %eq3A_198 : vector<16xi32>
      %jit3A_200 = arith.constant 1.000000e+00 : f32
      %jit3A_201 = arith.constant 0.000000e+00 : f32
      %broadcast_in_dim3A_202 = vector.broadcast %jit3A_200 : f32 to vector<16xf32>
      %broadcast_in_dim3A_203 = vector.broadcast %jit3A_201 : f32 to vector<16xf32>
      %select_n3A_204 = arith.select %eq3A_199, %broadcast_in_dim3A_202, %broadcast_in_dim3A_203 : vector<16xi1>, vector<16xf32>
      %add3A_205 = arith.addf %scan3A_53, %select_n3A_204 : vector<16xf32>
      %eq3A_206 = arith.constant 7 : i32
      %eq3A_207 = vector.broadcast %eq3A_206 : i32 to vector<16xi32>
      %eq3A_208 = arith.cmpi eq, %select_n3A_143, %eq3A_207 : vector<16xi32>
      %jit3A_209 = arith.constant 1.000000e+00 : f32
      %jit3A_210 = arith.constant 0.000000e+00 : f32
      %broadcast_in_dim3A_211 = vector.broadcast %jit3A_209 : f32 to vector<16xf32>
      %broadcast_in_dim3A_212 = vector.broadcast %jit3A_210 : f32 to vector<16xf32>
      %select_n3A_213 = arith.select %eq3A_208, %broadcast_in_dim3A_211, %broadcast_in_dim3A_212 : vector<16xi1>, vector<16xf32>
      %add3A_214 = arith.addf %scan3A_54, %select_n3A_213 : vector<16xf32>
      %eq3A_215 = arith.constant 8 : i32
      %eq3A_216 = vector.broadcast %eq3A_215 : i32 to vector<16xi32>
      %eq3A_217 = arith.cmpi eq, %select_n3A_143, %eq3A_216 : vector<16xi32>
      %jit3A_218 = arith.constant 1.000000e+00 : f32
      %jit3A_219 = arith.constant 0.000000e+00 : f32
      %broadcast_in_dim3A_220 = vector.broadcast %jit3A_218 : f32 to vector<16xf32>
      %broadcast_in_dim3A_221 = vector.broadcast %jit3A_219 : f32 to vector<16xf32>
      %select_n3A_222 = arith.select %eq3A_217, %broadcast_in_dim3A_220, %broadcast_in_dim3A_221 : vector<16xi1>, vector<16xf32>
      %add3A_223 = arith.addf %scan3A_55, %select_n3A_222 : vector<16xf32>
      %eq3A_224 = arith.constant 9 : i32
      %eq3A_225 = vector.broadcast %eq3A_224 : i32 to vector<16xi32>
      %eq3A_226 = arith.cmpi eq, %select_n3A_143, %eq3A_225 : vector<16xi32>
      %jit3A_227 = arith.constant 1.000000e+00 : f32
      %jit3A_228 = arith.constant 0.000000e+00 : f32
      %broadcast_in_dim3A_229 = vector.broadcast %jit3A_227 : f32 to vector<16xf32>
      %broadcast_in_dim3A_230 = vector.broadcast %jit3A_228 : f32 to vector<16xf32>
      %select_n3A_231 = arith.select %eq3A_226, %broadcast_in_dim3A_229, %broadcast_in_dim3A_230 : vector<16xi1>, vector<16xf32>
      %add3A_232 = arith.addf %scan3A_56, %select_n3A_231 : vector<16xf32>
      scf.yield %add3A_151, %add3A_160, %add3A_169, %add3A_178, %add3A_187, %add3A_196, %add3A_205, %add3A_214, %add3A_223, %add3A_232 : vector<16xf32>, vector<16xf32>, vector<16xf32>, vector<16xf32>, vector<16xf32>, vector<16xf32>, vector<16xf32>, vector<16xf32>, vector<16xf32>, vector<16xf32>
    }
    %scan3A_26 = arith.constant 128 : i32
    %swap3A = arith.constant 0 : index
    %swap3A_27 = tpu.vector_load %arg5[%swap3A] {strides = array<i32>} : memref<160xf32, #tpu.memory_space<vmem>>, vector<16xf32>,
    tpu.vector_store %arg5[%swap3A], %scan3A_25#0 {strides = array<i32>} : memref<160xf32, #tpu.memory_space<vmem>>, vector<16xf32>,
    %swap3A_28 = arith.constant 16 : index
    %swap3A_29 = tpu.vector_load %arg5[%swap3A_28] {strides = array<i32>} : memref<160xf32, #tpu.memory_space<vmem>>, vector<16xf32>,
    tpu.vector_store %arg5[%swap3A_28], %scan3A_25#1 {strides = array<i32>} : memref<160xf32, #tpu.memory_space<vmem>>, vector<16xf32>,
    %swap3A_30 = arith.constant 32 : index
    %swap3A_31 = tpu.vector_load %arg5[%swap3A_30] {strides = array<i32>} : memref<160xf32, #tpu.memory_space<vmem>>, vector<16xf32>,
    tpu.vector_store %arg5[%swap3A_30], %scan3A_25#2 {strides = array<i32>} : memref<160xf32, #tpu.memory_space<vmem>>, vector<16xf32>,
    %swap3A_32 = arith.constant 48 : index
    %swap3A_33 = tpu.vector_load %arg5[%swap3A_32] {strides = array<i32>} : memref<160xf32, #tpu.memory_space<vmem>>, vector<16xf32>,
    tpu.vector_store %arg5[%swap3A_32], %scan3A_25#3 {strides = array<i32>} : memref<160xf32, #tpu.memory_space<vmem>>, vector<16xf32>,
    %swap3A_34 = arith.constant 64 : index
    %swap3A_35 = tpu.vector_load %arg5[%swap3A_34] {strides = array<i32>} : memref<160xf32, #tpu.memory_space<vmem>>, vector<16xf32>,
    tpu.vector_store %arg5[%swap3A_34], %scan3A_25#4 {strides = array<i32>} : memref<160xf32, #tpu.memory_space<vmem>>, vector<16xf32>,
    %swap3A_36 = arith.constant 80 : index
    %swap3A_37 = tpu.vector_load %arg5[%swap3A_36] {strides = array<i32>} : memref<160xf32, #tpu.memory_space<vmem>>, vector<16xf32>,
    tpu.vector_store %arg5[%swap3A_36], %scan3A_25#5 {strides = array<i32>} : memref<160xf32, #tpu.memory_space<vmem>>, vector<16xf32>,
    %swap3A_38 = arith.constant 96 : index
    %swap3A_39 = tpu.vector_load %arg5[%swap3A_38] {strides = array<i32>} : memref<160xf32, #tpu.memory_space<vmem>>, vector<16xf32>,
    tpu.vector_store %arg5[%swap3A_38], %scan3A_25#6 {strides = array<i32>} : memref<160xf32, #tpu.memory_space<vmem>>, vector<16xf32>,
    %swap3A_40 = arith.constant 112 : index
    %swap3A_41 = tpu.vector_load %arg5[%swap3A_40] {strides = array<i32>} : memref<160xf32, #tpu.memory_space<vmem>>, vector<16xf32>,
    tpu.vector_store %arg5[%swap3A_40], %scan3A_25#7 {strides = array<i32>} : memref<160xf32, #tpu.memory_space<vmem>>, vector<16xf32>,
    %swap3A_42 = arith.constant 128 : index
    %swap3A_43 = tpu.vector_load %arg5[%swap3A_42] {strides = array<i32>} : memref<160xf32, #tpu.memory_space<vmem>>, vector<16xf32>,
    tpu.vector_store %arg5[%swap3A_42], %scan3A_25#8 {strides = array<i32>} : memref<160xf32, #tpu.memory_space<vmem>>, vector<16xf32>,
    %swap3A_44 = arith.constant 144 : index
    %swap3A_45 = tpu.vector_load %arg5[%swap3A_44] {strides = array<i32>} : memref<160xf32, #tpu.memory_space<vmem>>, vector<16xf32>,
    tpu.vector_store %arg5[%swap3A_44], %scan3A_25#9 {strides = array<i32>} : memref<160xf32, #tpu.memory_space<vmem>>, vector<16xf32>,
    "tpu.region"() ({
      %run_scoped3A = tpu.sem_alloc : memref<!tpu.dma_semaphore, #tpu.memory_space<semaphore_mem>>
      %dma_start3A = arith.constant 0 : i32
      %dma_start3A_46 = tpu.memref_slice %arg3[%add3A, %dma_start3A] : memref<32x160xf32, #tpu.memory_space<hbm>> -> memref<1x160xf32, #tpu.memory_space<hbm>>
      %dma_start3A_47 = tpu.memref_squeeze %dma_start3A_46 : memref<1x160xf32, #tpu.memory_space<hbm>> -> memref<160xf32, #tpu.memory_space<hbm>>
      %dma_start3A_48 = arith.constant 0 : i32
      %dma_start3A_49 = tpu.memref_slice %arg3[%add3A, %dma_start3A_48] : memref<32x160xf32, #tpu.memory_space<hbm>> -> memref<1x160xf32, #tpu.memory_space<hbm>>
      %dma_start3A_50 = tpu.memref_squeeze %dma_start3A_49 : memref<1x160xf32, #tpu.memory_space<hbm>> -> memref<160xf32, #tpu.memory_space<hbm>>
      tpu.enqueue_dma source(%arg5 : memref<160xf32, #tpu.memory_space<vmem>>) target(%dma_start3A_50 : memref<160xf32, #tpu.memory_space<hbm>>) target_semaphore(%run_scoped3A : memref<!tpu.dma_semaphore, #tpu.memory_space<semaphore_mem>>)
      %dma_wait3A = arith.constant 0 : i32
      %dma_wait3A_51 = tpu.memref_slice %arg3[%add3A, %dma_wait3A] : memref<32x160xf32, #tpu.memory_space<hbm>> -> memref<1x160xf32, #tpu.memory_space<hbm>>
      %dma_wait3A_52 = tpu.memref_squeeze %dma_wait3A_51 : memref<1x160xf32, #tpu.memory_space<hbm>> -> memref<160xf32, #tpu.memory_space<hbm>>
      %dma_wait3A_53 = arith.constant 0 : i32
      %dma_wait3A_54 = tpu.memref_slice %arg3[%add3A, %dma_wait3A_53] : memref<32x160xf32, #tpu.memory_space<hbm>> -> memref<1x160xf32, #tpu.memory_space<hbm>>
      %dma_wait3A_55 = tpu.memref_squeeze %dma_wait3A_54 : memref<1x160xf32, #tpu.memory_space<hbm>> -> memref<160xf32, #tpu.memory_space<hbm>>
      tpu.wait_dma2 semaphore(%run_scoped3A : memref<!tpu.dma_semaphore, #tpu.memory_space<semaphore_mem>>) src(%arg5 : memref<160xf32, #tpu.memory_space<vmem>>) dst(%dma_wait3A_55 : memref<160xf32, #tpu.memory_space<hbm>>)
      tpu.yield
    }) : () -> ()
    return
  }
}

module attributes {stable_mosaic.version = 14 : i64} {
  func.func @_tc_body(%arg0: i32, %arg1: memref<256x8192xf32, #tpu.memory_space<vmem>>, %arg2: memref<10x8192xf32, #tpu.memory_space<vmem>>, %arg3: memref<256x10xf32, #tpu.memory_space<vmem>>) attributes {dimension_semantics = [#tpu.dimension_semantics<arbitrary>], iteration_bounds = array<i64: 8>, scalar_prefetch = 0 : i64, scratch_operands = 0 : i64, tpu.core_type = #tpu.core_type<tc>, window_params = [{transform_indices = @transform_0, window_bounds = array<i64: 256, 8192>}, {transform_indices = @transform_1, window_bounds = array<i64: 10, 8192>}, {pipeline_mode = #tpu.pipeline_mode<synchronous>, transform_indices = @transform_2, window_bounds = array<i64: 256, 10>}]} {
    %get3A = arith.constant 0 : index
    %get3A_0 = arith.constant 0 : index
    %get3A_1 = vector.load %arg2[%get3A, %get3A_0] : memref<10x8192xf32, #tpu.memory_space<vmem>>, vector<10x8192xf32>
    %abs3A = math.absf %get3A_1 : vector<10x8192xf32>
    %reduce_sum3A = arith.constant dense<0.000000e+00> : vector<8192xf32>
    %reduce_sum3A_2 = vector.multi_reduction <add>, %abs3A, %reduce_sum3A [0] : vector<10x8192xf32> to vector<8192xf32>
    %broadcast_in_dim3A = vector.shape_cast %reduce_sum3A_2 : vector<8192xf32> to vector<1x8192xf32>
    %reduce_max3A = arith.constant dense<0xFF800000> : vector<8192xf32>
    %reduce_max3A_3 = vector.multi_reduction <maximumf>, %get3A_1, %reduce_max3A [0] : vector<10x8192xf32> to vector<8192xf32>
    %broadcast_in_dim3A_4 = vector.shape_cast %reduce_max3A_3 : vector<8192xf32> to vector<1x8192xf32>
    %iota3A = tpu.iota {dimensions = array<i32: 0>} : vector<10x8192xi32>
    %eq3A = vector.broadcast %broadcast_in_dim3A_4 : vector<1x8192xf32> to vector<10x8192xf32>
    %eq3A_5 = arith.cmpf oeq, %get3A_1, %eq3A : vector<10x8192xf32>
    %jit3A = arith.constant 10 : i32
    %broadcast_in_dim3A_6 = vector.broadcast %jit3A : i32 to vector<10x8192xi32>
    %select_n3A = arith.select %eq3A_5, %iota3A, %broadcast_in_dim3A_6 : vector<10x8192xi1>, vector<10x8192xi32>
    %reduce_min3A = arith.constant dense<2147483647> : vector<8192xi32>
    %reduce_min3A_7 = vector.multi_reduction <minsi>, %select_n3A, %reduce_min3A [0] : vector<10x8192xi32> to vector<8192xi32>
    %broadcast_in_dim3A_8 = vector.shape_cast %reduce_min3A_7 : vector<8192xi32> to vector<1x8192xi32>
    %max3A = arith.constant 9.99999996E-13 : f32
    %max3A_9 = vector.broadcast %max3A : f32 to vector<1x8192xf32>
    %max3A_10 = arith.maximumf %broadcast_in_dim3A, %max3A_9 : vector<1x8192xf32>
    %div3A = arith.divf %broadcast_in_dim3A_4, %max3A_10 : vector<1x8192xf32>
    %eq3A_11 = vector.broadcast %broadcast_in_dim3A_8 : vector<1x8192xi32> to vector<10x8192xi32>
    %eq3A_12 = arith.cmpi eq, %iota3A, %eq3A_11 : vector<10x8192xi32>
    %jit3A_13 = arith.constant 0.000000e+00 : f32
    %broadcast_in_dim3A_14 = vector.shape_cast %div3A : vector<1x8192xf32> to vector<1x8192xf32>
    %broadcast_in_dim3A_15 = vector.broadcast %broadcast_in_dim3A_14 : vector<1x8192xf32> to vector<10x8192xf32>
    %broadcast_in_dim3A_16 = vector.broadcast %jit3A_13 : f32 to vector<10x8192xf32>
    %select_n3A_17 = arith.select %eq3A_12, %broadcast_in_dim3A_15, %broadcast_in_dim3A_16 : vector<10x8192xi1>, vector<10x8192xf32>
    %convert_element_type3A = arith.truncf %select_n3A_17 : vector<10x8192xf32> to vector<10x8192xbf16>
    %get3A_18 = arith.constant 0 : index
    %get3A_19 = arith.constant 0 : index
    %get3A_20 = vector.load %arg1[%get3A_18, %get3A_19] : memref<256x8192xf32, #tpu.memory_space<vmem>>, vector<256x8192xf32>
    %convert_element_type3A_21 = arith.truncf %get3A_20 : vector<256x8192xf32> to vector<256x8192xbf16>
    %dot_general3A = arith.constant dense<0.000000e+00> : vector<256x10xf32>
    %dot_general3A_22 = tpu.matmul %convert_element_type3A_21, %convert_element_type3A, %dot_general3A {dimension_numbers = #tpu.dot_dimension_numbers<[1], [1], [0], [0], [0, 0, 1, 0], [], []>, transpose_lhs_hint = false} : vector<256x8192xbf16>, vector<10x8192xbf16>, vector<256x10xf32> -> vector<256x10xf32>
    %eq3A_23 = arith.constant 0 : i32
    %eq3A_24 = arith.cmpi eq, %arg0, %eq3A_23 : i32
    %convert_element_type3A_25 = arith.extui %eq3A_24 : i1 to i32
    %cond3A = arith.constant 0 : i32
    %cond3A_26 = arith.cmpi ne, %convert_element_type3A_25, %cond3A : i32
    scf.if %cond3A_26 {
      %broadcast_in_dim3A_32 = arith.constant 0.000000e+00 : f32
      %broadcast_in_dim3A_33 = vector.broadcast %broadcast_in_dim3A_32 : f32 to vector<256x10xf32>
      %swap3A_34 = arith.constant 0 : index
      %swap3A_35 = arith.constant 0 : index
      %swap3A_36 = vector.load %arg3[%swap3A_34, %swap3A_35] : memref<256x10xf32, #tpu.memory_space<vmem>>, vector<256x10xf32>
      tpu.vector_store %arg3[%swap3A_34, %swap3A_35], %broadcast_in_dim3A_33 {strides = array<i32>} : memref<256x10xf32, #tpu.memory_space<vmem>>, vector<256x10xf32>,
    } else {
    }
    %get3A_27 = arith.constant 0 : index
    %get3A_28 = arith.constant 0 : index
    %get3A_29 = vector.load %arg3[%get3A_27, %get3A_28] : memref<256x10xf32, #tpu.memory_space<vmem>>, vector<256x10xf32>
    %add3A = arith.addf %get3A_29, %dot_general3A_22 : vector<256x10xf32>
    %swap3A = arith.constant 0 : index
    %swap3A_30 = arith.constant 0 : index
    %swap3A_31 = vector.load %arg3[%swap3A, %swap3A_30] : memref<256x10xf32, #tpu.memory_space<vmem>>, vector<256x10xf32>
    tpu.vector_store %arg3[%swap3A, %swap3A_30], %add3A {strides = array<i32>} : memref<256x10xf32, #tpu.memory_space<vmem>>, vector<256x10xf32>,
    return
  }
  func.func @transform_0(%arg0: i32) -> (i32, i32) {
    %c0_i32 = arith.constant 0 : i32
    %c0_i32_0 = arith.constant 0 : i32
    return %c0_i32, %arg0 : i32, i32
  }
  func.func @transform_1(%arg0: i32) -> (i32, i32) {
    %c0_i32 = arith.constant 0 : i32
    %c0_i32_0 = arith.constant 0 : i32
    return %c0_i32, %arg0 : i32, i32
  }
  func.func @transform_2(%arg0: i32) -> (i32, i32) {
    %c0_i32 = arith.constant 0 : i32
    %c0_i32_0 = arith.constant 0 : i32
    %c0_i32_1 = arith.constant 0 : i32
    return %c0_i32, %c0_i32_0 : i32, i32
  }
}

</mosaic_0001>

<sc_bundles>
// kernel: kernel.4.cloned.1.call-start
scs
__scs_entry_jumppad:
0x0: {  	(pc) =	sbr.rel $0x88, $3  }
0x1: {  	(tag) =	ssettag $0x0;
	lr =	simm.s32 $0x1  }
0x2: {  	[smem:$0x3F9F] =	sst lr;
	_ =	strace $0xD0000000  }
0x3: {  	_ = 	snop  }
0x4: {  	_ = 	snop  }
0x5: {  	_ = 	snop  }
0x6: {  	_ = 	snop  }
0x7: {  	_ = 	snop  }
__scs_overlays_trampoline_lowered:
0x8: {  	[smem:$0x3FAE] =	sst s0  }
0x9: {  	[smem:$0x3FAF] =	sst s1  }
0xa: {  	[smem:$0x3FB0] =	sst s2  }
0xb: {  	[smem:$0x3FB1] =	sst s3  }
0xc: {  	[smem:$0x3FB2] =	sst s4  }
0xd: {  	[smem:$0x3FB3] =	sst s5  }
0xe: {  	[smem:$0x3FB4] =	sst s6  }
0xf: {  	[smem:$0x3FB5] =	sst s7  }
0x10: {  	[smem:$0x3FB6] =	sst s8  }
0x11: {  	[smem:$0x3FB7] =	sst s9;
	s0 =	simm.s32 @!p0 $0x0  }
0x12: {  	s1 =	sld [smem:$0x3F9D];
	s0 =	simm.s32 @p0 $0x1  }
0x13: {  	[smem:$0x3FB8] =	sst s0;
	s0 =	simm.s32 @!p1 $0x0  }
0x14: {  	s2 =	sld [smem:$0x3F9C];
	s0 =	simm.s32 @p1 $0x1  }
0x15: {  	[smem:$0x3FB9] =	sst s0;
	s0 =	simm.s32 @!p2 $0x0  }
0x16: {  	s3 =	sld [smem:$0x3FDB];
	s0 =	simm.s32 @p2 $0x1  }
0x17: {  	s4 =	simm.s32 $0x1BF5;
	[smem:$0x3FBB] =	sst s0  }
0x18: {  	s0 =	sld [smem:$0x3F9E];
	_ =	swait.ge [sflag:s4], $0x0  }
0x19: {  	s7 =	sld [smem:$0x3F9F]  }
0x1a: {  	s8 =	sadd.s32 $0xFFFFE003, lr  }
0x1b: {  	s9 =	sadd.s32 $0xFFFFFEF7, lr;
	s5 =	simm.s32 $0xFFFFFFFF;
	p2 =	slt.u32 s8, $0xFFFFF086  }
0x1c: {  	p1 =	slt.u32 s9, $0xF7A;
	s5 =	simm.s32 @!p2 $0x0  }
0x1d: {  	s5 =	simm.s32 @p1 $0x1;
	p0 =	seq.s32 s7, s2  }
0x1e: {  	s7 =	smul.u32 @!p0 $0xF7A, s2;
	p2 =	seq.s32 @!p0 s5, $0x0  }
0x1f: {  	s9 =	smul.u32 $0xF7A, s1;
	s8 =	simm.s32 @!p0 $0x1BF5;
	p2 =	por !p2, p0  }
0x20: {  	[sflag:s8] =	ssyncset.s32 @!p0 $0xFFFFF086;
	s6 =	sadd.s32 @!p0 s3, s7;
	s7 =	simm.s32 @!p0 $0x108  }
0x21: {  	s3 =	sadd.s32 s3, s9;
	s6 =	sadd.s32 @!p0 $0x88, s6;
	s7 =	simm.s32 @p2 $0x1082  }
0x22: {  	[simem:s7], [sflag:s8] =	dma.local @!p0 [hbm:s6], $0xF7A  }
0x23: {  	s9 =	sor.u32 $0xD0000000, s2;
	s6 =	simm.s32 $0x108;
	_ =	swait.ge @!p0 [sflag:s8], $0x0  }
0x24: {  	s3 =	sadd.s32 $0x88, s3;
	s6 =	simm.s32 @!p1 $0x1082;
	[sflag:s4] =	ssyncset.s32 $0xFFFFF086  }
0x25: {  	[simem:s6], [sflag:s4] =	dma.local [hbm:s3], $0xF7A  }
0x26: {  	[smem:$0x3F9F] =	sst s1;
	(tag) =	ssettag s2;
	_ =	strace s9  }
0x27: {  	s1 =	sld [smem:$0x3FAF]  }
0x28: {  	s2 =	sld [smem:$0x3FB0]  }
0x29: {  	s4 =	sld [smem:$0x3FB2]  }
0x2a: {  	p0 =	seq.s32 s5, $0x0;
	s5 =	sld [smem:$0x3FB3]  }
0x2b: {  	s6 =	sld [smem:$0x3FB4]  }
0x2c: {  	s7 =	sld [smem:$0x3FB5]  }
0x2d: {  	s3 =	simm.s32 $0x108;
	s8 =	sld [smem:$0x3FB6]  }
0x2e: {  	s3 =	simm.s32 @!p0 $0x1082;
	s9 =	sld [smem:$0x3FB7]  }
0x2f: {  	lr =	sadd.s32 s0, s3;
	s0 =	sld [smem:$0x3FAE]  }
0x30: {  	s3 =	sld [smem:$0x3FB1]  }
0x31: {  	[smem:$0x3FBA] =	sst s10  }
0x32: {  	s10 =	sld [smem:$0x3FB8];
	_ =	sdelay $0x3  }
0x33: {  	p0 =	seq.s32 s10, $0x1;
	s10 =	sld [smem:$0x3FBA];
	_ =	sdelay $0x3  }
0x34: {  	[smem:$0x3FBA] =	sst s10  }
0x35: {  	s10 =	sld [smem:$0x3FB9];
	_ =	sdelay $0x3  }
0x36: {  	p1 =	seq.s32 s10, $0x1;
	s10 =	sld [smem:$0x3FBA];
	_ =	sdelay $0x3  }
0x37: {  	[smem:$0x3FBA] =	sst s10  }
0x38: {  	s10 =	sld [smem:$0x3FBB]  }
0x39: {  	_ = 	snop;
	(pc) =	sbr.ind lr, $3  }
0x3a: {  	_ = 	snop  }
0x3b: {  	_ = 	snop  }
0x3c: {  	p2 =	seq.s32 s10, $0x1;
	s10 =	sld [smem:$0x3FBA]  }
0x3d: {  	_ =	shalt  }
0x3e: {  	_ =	shalt  }
0x3f: {  	_ =	shalt  }
0x40: {  	_ =	shalt  }
0x41: {  	_ =	shalt  }
0x42: {  	_ =	shalt  }
0x43: {  	_ =	shalt  }
0x44: {  	_ =	shalt  }
0x45: {  	_ =	shalt  }
0x46: {  	_ =	shalt  }
0x47: {  	_ =	shalt  }
0x48: {  	_ =	shalt  }
0x49: {  	_ =	shalt  }
0x4a: {  	_ =	shalt  }
0x4b: {  	_ =	shalt  }
0x4c: {  	_ =	shalt  }
0x4d: {  	_ =	shalt  }
0x4e: {  	_ =	shalt  }
0x4f: {  	_ =	shalt  }
0x50: {  	_ =	shalt  }
0x51: {  	_ =	shalt  }
0x52: {  	_ =	shalt  }
0x53: {  	_ =	shalt  }
0x54: {  	_ =	shalt  }
0x55: {  	_ =	shalt  }
0x56: {  	_ =	shalt  }
0x57: {  	_ =	shalt  }
0x58: {  	_ =	shalt  }
0x59: {  	_ =	shalt  }
0x5a: {  	_ =	shalt  }
0x5b: {  	_ =	shalt  }
0x5c: {  	_ =	shalt  }
0x5d: {  	_ =	shalt  }
0x5e: {  	_ =	shalt  }
0x5f: {  	_ =	shalt  }
0x60: {  	_ =	shalt  }
0x61: {  	_ =	shalt  }
0x62: {  	_ =	shalt  }
0x63: {  	_ =	shalt  }
0x64: {  	_ =	shalt  }
0x65: {  	_ =	shalt  }
0x66: {  	_ =	shalt  }
0x67: {  	_ =	shalt  }
0x68: {  	_ =	shalt  }
0x69: {  	_ =	shalt  }
0x6a: {  	_ =	shalt  }
0x6b: {  	_ =	shalt  }
0x6c: {  	_ =	shalt  }
0x6d: {  	_ =	shalt  }
0x6e: {  	_ =	shalt  }
0x6f: {  	_ =	shalt  }
0x70: {  	_ =	shalt  }
0x71: {  	_ =	shalt  }
0x72: {  	_ =	shalt  }
0x73: {  	_ =	shalt  }
0x74: {  	_ =	shalt  }
0x75: {  	_ =	shalt  }
0x76: {  	_ =	shalt  }
0x77: {  	_ =	shalt  }
0x78: {  	_ =	shalt  }
0x79: {  	_ =	shalt  }
0x7a: {  	_ =	shalt  }
0x7b: {  	_ =	shalt  }
0x7c: {  	_ =	shalt  }
0x7d: {  	_ =	shalt  }
0x7e: {  	_ =	shalt  }
0x7f: {  	_ =	shalt  }
0x80: {  	_ =	shalt  }
0x81: {  	_ =	shalt  }
0x82: {  	_ =	shalt  }
0x83: {  	_ =	shalt  }
0x84: {  	_ =	shalt  }
0x85: {  	_ =	shalt  }
0x86: {  	_ =	shalt  }
0x87: {  	_ =	shalt  }
.Lfunc_end0:
.L_simem_size_0:
called_computation_lowered:
.L_overlay_start_0:
0x88: {  	s2 =	sld [smem:$0x3FD9]  }
0x89: {  	s3 =	sld [smem:$0x3FFE];
	_ =	sdelay $0x1  }
0x8a: {  	s1 =	srdreg.scid  }
0x8b: {  	s0 =	sand.u32 $0x1, s1  }
0x8c: {  	s16 =	sshll.u32 s0, $0xA;
	s2 =	sadd.s32 s3, s2  }
0x8d: {  	s2 =	sadd.s32 s2, s16  }
0x8e: {  	[smem:$0x3FC6] =	sst s2  }
0x8f: {  	_ = 	snop  }
0x90: {  	(tm) =	ssettm $0x1  }
0x91: {  	s17 =	sld [smem:$0x3FFB];
	_ =	sdelay $0x3  }
0x92: {  	_ =	strace s17  }
0x93: {  	s2 =	sld [smem:$0x3FFC];
	_ =	sdelay $0x3  }
0x94: {  	_ =	strace s2  }
0x95: {  	s2 =	sld [smem:$0x3FFD];
	_ =	sdelay $0x3  }
0x96: {  	_ =	strace s2  }
0x97: {  	_ =	strace $0x8FFFFFFF  }
0x98: {  	s18 =	sld [smem:$0x3FDB];
	_ =	sdelay $0x1  }
0x99: {  	s19 =	simm.s32 $_scs_section_size  }
0x9a: {  	s4 =	simm.s32 $_size__tile_overlayer_lowered;
	s5 =	simm.s32 $_tile_overlayer_lowered  }
0x9b: {  	s22 =	simm.s32 $0x1BFF;
	s21 =	sshll.u32 s5, $0x1;
	s2 =	sadd.s32 s19, s18  }
0x9c: {  	s6 =	simm.s32 $0x0;
	s20 =	sshll.u32 s4, $0x1;
	s4 =	sadd.s32 s21, s2  }
0x9d: {  	[timem:s6], [sflag:s22] =	dma.local [hbm:s4], s20  }
0x9e: {  	_ =	swait.ge [sflag:s22], s20  }
0x9f: {  	s3 =	ssub.s32 $0x0, s20;
	[sflag:s22] =	ssyncset.done $0x0  }
0xa0: {  	[sflag:s22] =	ssyncadd.s32 s3;
	_ =	sdelay $0x1  }
0xa1: {  	s23 =	simm.s32 $0x1B8B  }
0xa2: {  	_ =	swait.ge [sflag:s23], $0x1  }
0xa3: {  	[sflag:s23] =	ssyncset.done $0x0  }
0xa4: {  	s25 =	simm.s32 $0x1B8E;
	s24 =	sld [smem:$0x3FFE];
	[sflag:s23] =	ssyncadd.s32 $0xFFFFFFFF  }
0xa5: {  	s26 =	simm.s32 $execute0_lowered;
	[smem:$0x3FD2] =	sst s25  }
0xa6: {  	s4 =	sshll.u32 s26, $0x1;
	_ =	strace $0x80000046;
	[dreg:$0x1] =	wrdreg $0xFFFFFFFF  }
0xa7: {  	s28 =	simm.s32 $_size_execute0_lowered;
	s2 =	sadd.s32 s2, s4;
	[dreg:$0x0] =	wrdreg $0x0  }
0xa8: {  	s4 =	sshll.u32 s28, $0x1;
	[dreg:$0x2] =	wrdreg s2  }
0xa9: {  	[dreg:$0x3] =	wrdreg s4  }
0xaa: {  	[dreg:$0x4] =	wrdreg $0xC0  }
0xab: {  	_ =	task [dreg:s6], $0x5FFFF  }
0xac: {  	[dreg:$0x1] =	wrdreg $0xFFFFFFFF  }
0xad: {  	[dreg:$0x0] =	wrdreg $0x60  }
0xae: {  	[dreg:$0x2] =	wrdreg s24  }
0xaf: {  	[dreg:$0x3] =	wrdreg $0x9  }
0xb0: {  	_ =	task.clear_ibuf [dreg:s6], $0x4FFFF;
	_ =	strace $0x90000046  }
0xb1: {  	s29 =	simm.s32 $0x9;
	_ =	strace $0x80000048  }
0xb2: {  	_ =	swait.ge [sflag:s29], $0x1  }
0xb3: {  	[sflag:s29] =	ssyncadd.s32 $0xFFFFFFFF  }
0xb4: {  	_ =	strace $0x90000048  }
0xb5: {  	_ =	sfence  }
0xb6: {  	s30 =	sld [smem:$0x0];
	_ =	sdelay $0x2  }
0xb7: {  	s31 =	sshll.u32 s1, $0xD;
	s1 =	sshrl.u32 s1, $0x2  }
0xb8: {  	s3 =	sand.u32 $0x4000, s31;
	s1 =	sadd.s32 s1, s30  }
0xb9: {  	s0 =	sor.u32 s3, s0;
	s1 =	sshll.u32 s1, $0x11  }
0xba: {  	s0 =	sor.u32 s1, s0  }
0xbb: {  	s0 =	sadd.s32 $0x8F2B, s0  }
0xbc: {  	[sflag:s0] =	ssyncadd.remote.s32 $0x1  }
0xbd: {  	_ =	sfence.sel $0xFFFF  }
0xbe: {  	[dreg:$0x0] =	wrdreg $0xFFFFFFFF;
	(pc) =	sbr.abs _section_cstart, $3  }
0xbf: {  	[dreg:$0x1] =	wrdreg $0xFFFFFFFF  }
0xc0: {  	_ =	task.clear_ibuf [dreg:s6], $0x2FFFF;
	_ =	strace $0x9FFFFFFF  }
0xc1: {  	(tm) =	ssettm $0x7FFFFFFF  }
tec
execute0_lowered:
.L_overlay_start_1:
0x0: {  	(tag) =	ssettag $0x1  }
0x1: {  	s1 =	srdreg.scid  }
0x2: {  	s0 =	stileid.u32;
	s4 =	rddreg [dreg:$0x0];
	s2 =	simm.s32 $0x0  }
0x3: {  	s9 =	simm.s32 $0x5000;
	s3 =	sand.u32 $0x1, s1;
	s1 =	rddreg [dreg:$0x1]  }
0x4: {  	s10 =	simm.s32 $0x0;
	s30 =	sshll.u32 s0, $0x1;
	[smem:$0x7FF] =	sst s2  }
0x5: {  	v0 =	vlaneseq.u32;
	s7 =	sshll.u32 s0, $0x6;
	s5 =	sor.u32 s3, s30;
	_ =	strace $0x80000047  }
0x6: {  	v0 =	vmul.u32 $0xA, v0;
	s3 =	ssub.s32 $0x2, s3;
	s6 =	smul.u32 $0xA00, s5;
	s5 =	sshll.u32 s5, $0x4  }
0x7: {  	v2 =	vimm.s32 $0x0;
	v11 =	vimm.f32 $0.0e+00;
	v12 =	vimm.f32 $1.000000000e+00;
	s7 =	sand.u32 $0x300, s7;
	s8 =	sshrl.u32 s3, $0x1;
	s5 =	sand.u32 $0x70, s5  }
0x8: {  	v1 =	vor.u32 $0x1, v0;
	v3 =	vadd.s32 $0x2, v0;
	v4 =	vadd.s32 $0x3, v0;
	s31 =	ssub.s32 s3, s8;
	s8 =	simm.s32 $0x400;
	s6 =	sadd.s32 s6, s4  }
0x9: {  	v5 =	vadd.s32 $0x4, v0;
	v6 =	vadd.s32 $0x5, v0;
	v7 =	vadd.s32 $0x6, v0;
	s4 =	sadd.s32 s4, s7;
	s7 =	simm.s32 $0x80;
	s3 =	sadd.s32 $0x100000, s6  }
0xa: {  	v8 =	vadd.s32 $0x7, v0;
	v9 =	vadd.s32 $0x8, v0;
	v10 =	vadd.s32 $0x9, v0;
	s4 =	sadd.s32 s5, s4;
	s5 =	smax.u32 s31, $0x1;
	s6 =	simm.s32 $0x1  }
.LBB2_1:
0xb: {  	v13 =	vadd.s32 s2, v0  }
0xc: {  	[tilespmem:s2], [sflag:$0x1] =	stream.linear.gather [hbm4b:s3+s2], $0x5000, $0x38;
	v14 =	vadd.s32 s2, v1;
	[tilespmem:$0x5100] =	vst v63  }
0xd: {  	_ =	swait.ge [sflag:s6], $0x5000  }
0xe: {  	v15 =	vadd.s32 s2, v3;
	[sflag:s6] =	ssyncset.done $0x0  }
0xf: {  	[sflag:s6] =	ssyncadd.s32 $0xFFFFB000  }
0x10: {  	v16 =	vadd.s32 s2, v4;
	v13 =	vld.idx.msk [tilespmem:v13+s2+$0x0], $0xffff  }
0x11: {  	v14 =	vld.idx.msk [tilespmem:v14+s2+$0x0], $0xffff  }
0x12: {  	v17 =	vadd.s32 s2, v5  }
0x13: {  	v15 =	vld.idx.msk [tilespmem:v15+s2+$0x0], $0xffff  }
0x14: {  	v18 =	vadd.s32 s2, v6  }
0x15: {  	v16 =	vld.idx.msk [tilespmem:v16+s2+$0x0], $0xffff  }
0x16: {  	v19 =	vadd.s32 s2, v7;
	vm0 =	vgt.f32 v14, v13  }
0x17: {  	v17 =	vld.idx.msk [tilespmem:v17+s2+$0x0], $0xffff;
	v13 =	vsel vm0, v14, v13  }
0x18: {  	v14 =	vadd.s32 s2, v8;
	vm1 =	vgt.f32 v15, v13  }
0x19: {  	v18 =	vld.idx.msk [tilespmem:v18+s2+$0x0], $0xffff;
	v13 =	vsel vm1, v15, v13  }
0x1a: {  	v15 =	vadd.s32 s2, v9;
	vm2 =	vgt.f32 v16, v13  }
0x1b: {  	v19 =	vld.idx.msk [tilespmem:v19+s2+$0x0], $0xffff;
	v13 =	vsel vm2, v16, v13  }
0x1c: {  	v16 =	vadd.s32 s2, v10;
	vm3 =	vgt.f32 v17, v13  }
0x1d: {  	s11 =	simm.s32 $0xA0;
	v14 =	vld.idx.msk [tilespmem:v14+s2+$0x0], $0xffff;
	v13 =	vsel vm3, v17, v13  }
0x1e: {  	v21 =	vadd.s32 s11, v6;
	vm4 =	vgt.f32 v18, v13  }
0x1f: {  	v22 =	vadd.s32 s11, v7;
	v23 =	vadd.s32 s11, v8;
	v15 =	vld.idx.msk [tilespmem:v15+s2+$0x0], $0xffff;
	v13 =	vsel vm4, v18, v13  }
0x20: {  	v17 =	vsel vm0, $0x1, v2;
	v18 =	vadd.s32 s11, v0;
	vm0 =	vgt.f32 v19, v13  }
0x21: {  	v17 =	vsel vm1, $0x2, v17;
	v16 =	vld.idx.msk [tilespmem:v16+s2+$0x0], $0xffff;
	v13 =	vsel vm0, v19, v13;
	v19 =	vadd.s32 s11, v1  }
0x22: {  	v26 =	vadd.s32 s11, v9;
	v17 =	vsel vm2, $0x3, v17;
	vm1 =	vgt.f32 v14, v13  }
0x23: {  	v17 =	vsel vm3, $0x4, v17;
	v13 =	vsel vm1, v14, v13;
	v14 =	vadd.s32 s11, v3  }
0x24: {  	v33 =	vadd.s32 s11, v10;
	v17 =	vsel vm4, $0x5, v17;
	vm2 =	vgt.f32 v15, v13  }
0x25: {  	v17 =	vsel vm0, $0x6, v17;
	v13 =	vsel vm2, v15, v13;
	v15 =	vld.idx.msk [tilespmem:v18+s2+$0x0], $0xffff;
	v18 =	vadd.s32 s11, v4  }
0x26: {  	v17 =	vsel vm1, $0x7, v17;
	vm0 =	vgt.f32 v16, v13;
	v13 =	vld.idx.msk [tilespmem:v19+s2+$0x0], $0xffff;
	v16 =	vadd.s32 s11, v5;
	s11 =	simm.s32 $0x140  }
0x27: {  	v17 =	vsel vm2, $0x8, v17;
	vm0 =	vmneg vm0;
	v30 =	vadd.s32 s11, v0  }
0x28: {  	v17 =	vnsel vm0, $0x9, v17;
	vm2 =	vmand vm2, vm0;
	v20 =	vsel vm0, $0x0, v12;
	v14 =	vld.idx.msk [tilespmem:v14+s2+$0x0], $0xffff  }
0x29: {  	vm0 =	veq.s32 v17, $0x0;
	vm1 =	veq.s32 v17, $0x7;
	vm5 =	veq.s32 v17, $0x1  }
0x2a: {  	vm6 =	veq.s32 v17, $0x2;
	vm7 =	veq.s32 v17, $0x4;
	vm8 =	veq.s32 v17, $0x5;
	v18 =	vld.idx.msk [tilespmem:v18+s2+$0x0], $0xffff  }
0x2b: {  	vm9 =	veq.s32 v17, $0x6;
	v24 =	vsel vm2, $0x3F800000, v11;
	vm3 =	vgt.f32 v13, v15  }
0x2c: {  	v19 =	vsel vm1, $0x3F800000, v11;
	vm1 =	veq.s32 v17, $0x3;
	v16 =	vld.idx.msk [tilespmem:v16+s2+$0x0], $0xffff;
	v13 =	vsel vm3, v13, v15  }
0x2d: {  	v17 =	vsel vm5, $0x3F800000, v11;
	v28 =	vsel vm7, $0x3F800000, v11;
	vm4 =	vgt.f32 v14, v13  }
0x2e: {  	v21 =	vld.idx.msk [tilespmem:v21+s2+$0x0], $0xffff;
	v29 =	vsel vm8, $0x3F800000, v11;
	v25 =	vsel vm9, $0x3F800000, v11;
	v13 =	vsel vm4, v14, v13  }
0x2f: {  	v19 =	vadd.f32 v19, v11;
	v15 =	vsel vm0, $0x3F800000, v11;
	vm0 =	vgt.f32 v18, v13  }
0x30: {  	v22 =	vld.idx.msk [tilespmem:v22+s2+$0x0], $0xffff;
	v27 =	vsel vm1, $0x3F800000, v11;
	v17 =	vadd.f32 v17, v11;
	v13 =	vsel vm0, v18, v13  }
0x31: {  	v14 =	vsel vm6, $0x3F800000, v11;
	v18 =	vadd.f32 v15, v11;
	vm1 =	vgt.f32 v16, v13  }
0x32: {  	v15 =	vadd.f32 v14, v11;
	v16 =	vsel vm1, v16, v13;
	v13 =	vadd.f32 v27, v11;
	v27 =	vld.idx.msk [tilespmem:v23+s2+$0x0], $0xffff  }
0x33: {  	v14 =	vadd.f32 v29, v11;
	v23 =	vsel vm3, $0x1, v2;
	vm2 =	vgt.f32 v21, v16  }
0x34: {  	v26 =	vld.idx.msk [tilespmem:v26+s2+$0x0], $0xffff;
	v29 =	vadd.s32 s11, v1;
	v32 =	vsel vm4, $0x2, v23;
	v21 =	vsel vm2, v21, v16  }
0x35: {  	v23 =	vimm.f32 $0.0e+00;
	v16 =	vadd.f32 v28, v11;
	vm3 =	vgt.f32 v22, v21  }
0x36: {  	s12 =	simm.s32 $0x1E0;
	v28 =	vld.idx.msk [tilespmem:v33+s2+$0x0], $0xffff;
	v31 =	vsel vm3, v22, v21;
	v22 =	vimm.f32 $0.0e+00;
	v21 =	vimm.f32 $0.0e+00  }
.LBB2_2:
0x37: {  	p0 =	sne.s32 s12, $0x4F60;
	v32 =	vsel vm0, $0x3, v32;
	vm0 =	vgt.f32 v27, v31;
	v23 =	vadd.f32 v25, v23  }
0x38: {  	v25 =	vadd.s32 s11, v3;
	v32 =	vsel vm1, $0x4, v32;
	v27 =	vsel vm0, v27, v31  }
0x39: {  	v22 =	vadd.f32 v24, v22;
	v31 =	vsel vm2, $0x5, v32;
	vm1 =	vgt.f32 v26, v27  }
0x3a: {  	v24 =	vld.idx.msk [tilespmem:v30+s2+$0x0], $0xffff;
	v30 =	vadd.s32 s11, v4;
	v31 =	vsel vm3, $0x6, v31;
	v26 =	vsel vm1, v26, v27  }
0x3b: {  	v21 =	vadd.f32 v20, v21;
	v27 =	vld.idx.msk [tilespmem:v29+s2+$0x0], $0xffff;
	v29 =	vsel vm0, $0x7, v31;
	vm0 =	vgt.f32 v28, v26  }
0x3c: {  	v26 =	vadd.s32 s11, v5;
	v20 =	vsel vm1, $0x8, v29;
	vm0 =	vmneg vm0  }
0x3d: {  	v25 =	vld.idx.msk [tilespmem:v25+s2+$0x0], $0xffff;
	v28 =	vnsel vm0, $0x9, v20;
	vm2 =	vmand vm1, vm0;
	v20 =	vsel vm0, $0x0, v12  }
0x3e: {  	v29 =	vadd.s32 s11, v6;
	vm0 =	veq.s32 v28, $0x0;
	vm1 =	veq.s32 v28, $0x7  }
0x3f: {  	vm5 =	veq.s32 v28, $0x1;
	vm6 =	veq.s32 v28, $0x2;
	v30 =	vld.idx.msk [tilespmem:v30+s2+$0x0], $0xffff;
	v31 =	vsel vm1, $0x3F800000, v11  }
0x40: {  	v32 =	vadd.s32 s11, v7;
	vm1 =	veq.s32 v28, $0x3;
	v19 =	vadd.f32 v31, v19  }
0x41: {  	vm7 =	veq.s32 v28, $0x4;
	vm8 =	veq.s32 v28, $0x5;
	vm3 =	vgt.f32 v27, v24;
	v26 =	vld.idx.msk [tilespmem:v26+s2+$0x0], $0xffff  }
0x42: {  	vm9 =	veq.s32 v28, $0x6;
	v24 =	vsel vm3, v27, v24;
	v27 =	vadd.s32 s11, v8  }
0x43: {  	v31 =	vsel vm5, $0x3F800000, v11;
	vm4 =	vgt.f32 v25, v24;
	v28 =	vld.idx.msk [tilespmem:v29+s2+$0x0], $0xffff;
	v29 =	vsel vm0, $0x3F800000, v11  }
0x44: {  	v33 =	vadd.s32 s11, v9;
	v34 =	vsel vm6, $0x3F800000, v11;
	v24 =	vsel vm4, v25, v24  }
0x45: {  	v36 =	vsel vm7, $0x3F800000, v11;
	vm0 =	vgt.f32 v30, v24;
	v35 =	vld.idx.msk [tilespmem:v32+s2+$0x0], $0xffff;
	v32 =	vsel vm1, $0x3F800000, v11  }
0x46: {  	v37 =	vadd.s32 s11, v10;
	v38 =	vsel vm8, $0x3F800000, v11;
	s11 =	smov.u32 s12;
	v30 =	vsel vm0, v30, v24  }
0x47: {  	v25 =	vsel vm9, $0x3F800000, v11;
	v24 =	vsel vm2, $0x3F800000, v11;
	vm1 =	vgt.f32 v26, v30;
	v27 =	vld.idx.msk [tilespmem:v27+s2+$0x0], $0xffff  }
.Ltmp0:
0x48: {  	v17 =	vadd.f32 v31, v17;
	v18 =	vadd.f32 v29, v18;
	v30 =	vsel vm1, v26, v30;
	(pc) =	sbr.rel @p0 .LBB2_2-.Ltmp0, $4  }
0x49: {  	v15 =	vadd.f32 v34, v15;
	v13 =	vadd.f32 v32, v13;
	vm2 =	vgt.f32 v28, v30;
	v26 =	vld.idx.msk [tilespmem:v33+s2+$0x0], $0xffff  }
0x4a: {  	v16 =	vadd.f32 v36, v16;
	v14 =	vadd.f32 v38, v14;
	v31 =	vsel vm2, v28, v30  }
0x4b: {  	v32 =	vsel vm3, $0x1, v2;
	v30 =	vadd.s32 s12, v0;
	vm3 =	vgt.f32 v35, v31;
	v28 =	vld.idx.msk [tilespmem:v37+s2+$0x0], $0xffff  }
0x4c: {  	v29 =	vadd.s32 s11, v1;
	v32 =	vsel vm4, $0x2, v32;
	s12 =	sadd.s32 $0xA0, s12;
	v31 =	vsel vm3, v35, v31  }
0x4d: {  	_ =	sdelay $0x1  }
0x4e: {  	v33 =	vadd.s32 s11, v3;
	_ =	sdelay $0x1  }
0x4f: {  	v32 =	vsel vm0, $0x3, v32;
	vm10 =	vgt.f32 v27, v31;
	v30 =	vld.idx.msk [tilespmem:v30+s2+$0x0], $0xffff;
	v34 =	vadd.s32 s11, v4  }
0x50: {  	v23 =	vadd.f32 v25, v23;
	v29 =	vld.idx.msk [tilespmem:v29+s2+$0x0], $0xffff;
	v62 =	vadd.s32 s11, v5;
	v22 =	vadd.f32 v24, v22  }
0x51: {  	v36 =	vadd.s32 s11, v6;
	v20 =	vadd.f32 v20, v21;
	v39 =	vadd.s32 s11, v7  }
0x52: {  	v41 =	vadd.s32 s11, v8;
	v61 =	vsel vm1, $0x4, v32;
	v27 =	vsel vm10, v27, v31;
	v35 =	vld.idx.msk [tilespmem:v33+s2+$0x0], $0xffff  }
0x53: {  	v42 =	vadd.s32 s11, v9;
	v25 =	vsel vm2, $0x5, v61;
	vm11 =	vgt.f32 v26, v27  }
0x54: {  	v44 =	vadd.s32 s11, v10;
	v63 =	vsel vm3, $0x6, v25;
	v32 =	vsel vm11, v26, v27;
	v38 =	vld.idx.msk [tilespmem:v34+s2+$0x0], $0xffff  }
0x55: {  	v24 =	vsel vm10, $0x7, v63;
	vm12 =	vgt.f32 v28, v32;
	vm1 =	vgt.f32 v29, v30  }
0x56: {  	v37 =	vsel vm11, $0x8, v24;
	vm13 =	vmneg vm12;
	v31 =	vld.idx.msk [tilespmem:v62+s2+$0x0], $0xffff;
	v29 =	vsel vm1, v29, v30  }
0x57: {  	v21 =	vnsel vm13, $0x9, v37;
	vm0 =	vmand vm11, vm13;
	vm3 =	vgt.f32 v35, v29  }
0x58: {  	v25 =	vld.idx.msk [tilespmem:v36+s2+$0x0], $0xffff;
	v40 =	vsel vm13, $0x0, v12;
	v50 =	vsel vm1, $0x1, v2;
	v26 =	vsel vm3, v35, v29  }
0x59: {  	vm14 =	veq.s32 v21, $0x0;
	vm4 =	veq.s32 v21, $0x7;
	vm7 =	vgt.f32 v38, v26  }
0x5a: {  	v27 =	vld.idx.msk [tilespmem:v39+s2+$0x0], $0xffff;
	vm5 =	veq.s32 v21, $0x1;
	vm6 =	veq.s32 v21, $0x2;
	v24 =	vsel vm7, v38, v26  }
0x5b: {  	vm15 =	veq.s32 v21, $0x3;
	vm9 =	veq.s32 v21, $0x4;
	vm8 =	vgt.f32 v31, v24  }
0x5c: {  	v30 =	vld.idx.msk [tilespmem:v41+s2+$0x0], $0xffff;
	vm12 =	veq.s32 v21, $0x5;
	v53 =	vsel vm0, $0x3F800000, v11;
	v24 =	vsel vm8, v31, v24  }
0x5d: {  	v43 =	vsel vm4, $0x3F800000, v11;
	v45 =	vsel vm14, $0x3F800000, v11;
	vm13 =	vgt.f32 v25, v24  }
0x5e: {  	v48 =	vld.idx.msk [tilespmem:v42+s2+$0x0], $0xffff;
	v46 =	vsel vm5, $0x3F800000, v11;
	v47 =	vsel vm6, $0x3F800000, v11;
	v24 =	vsel vm13, v25, v24  }
0x5f: {  	vm14 =	veq.s32 v21, $0x6;
	v49 =	vsel vm15, $0x3F800000, v11;
	vm15 =	vgt.f32 v27, v24  }
0x60: {  	v51 =	vsel vm9, $0x3F800000, v11;
	v29 =	vsel vm3, $0x2, v50;
	v26 =	vld.idx.msk [tilespmem:v44+s2+$0x0], $0xffff;
	v24 =	vsel vm15, v27, v24  }
0x61: {  	v52 =	vsel vm12, $0x3F800000, v11;
	v29 =	vsel vm7, $0x3, v29;
	vm4 =	vgt.f32 v30, v24  }
0x62: {  	v22 =	vadd.f32 v53, v22;
	v29 =	vsel vm8, $0x4, v29;
	v24 =	vsel vm4, v30, v24  }
0x63: {  	v19 =	vadd.f32 v43, v19;
	v29 =	vsel vm13, $0x5, v29;
	vm6 =	vgt.f32 v48, v24  }
0x64: {  	v18 =	vadd.f32 v45, v18;
	v29 =	vsel vm15, $0x6, v29;
	v21 =	vsel vm6, v48, v24  }
0x65: {  	v17 =	vadd.f32 v46, v17;
	v54 =	vsel vm4, $0x7, v29;
	vm7 =	vgt.f32 v26, v21  }
0x66: {  	v15 =	vadd.f32 v47, v15;
	v55 =	vsel vm6, $0x8, v54;
	vm1 =	vmneg vm7  }
0x67: {  	v13 =	vadd.f32 v49, v13;
	v16 =	vadd.f32 v51, v16;
	v21 =	vnsel vm1, $0x9, v55  }
0x68: {  	v14 =	vadd.f32 v52, v14;
	v35 =	vsel vm14, $0x3F800000, v11;
	vm8 =	veq.s32 v21, $0x0  }
0x69: {  	v23 =	vadd.f32 v35, v23;
	vm9 =	veq.s32 v21, $0x1;
	v56 =	vsel vm8, $0x3F800000, v11  }
0x6a: {  	vm10 =	veq.s32 v21, $0x2;
	v57 =	vsel vm9, $0x3F800000, v11;
	v18 =	vadd.f32 v56, v18  }
0x6b: {  	vm11 =	veq.s32 v21, $0x3;
	v58 =	vsel vm10, $0x3F800000, v11;
	v17 =	vadd.f32 v57, v17  }
0x6c: {  	vm12 =	veq.s32 v21, $0x4;
	v59 =	vsel vm11, $0x3F800000, v11;
	v15 =	vadd.f32 v58, v15;
	[tilespmem:$0x5000] =	vst v18  }
0x6d: {  	vm13 =	veq.s32 v21, $0x5;
	v60 =	vsel vm12, $0x3F800000, v11;
	v13 =	vadd.f32 v59, v13;
	[tilespmem:$0x5010] =	vst v17  }
0x6e: {  	vm0 =	vmand vm6, vm1;
	v61 =	vsel vm13, $0x3F800000, v11;
	v16 =	vadd.f32 v60, v16;
	[tilespmem:$0x5020] =	vst v15  }
0x6f: {  	vm14 =	veq.s32 v21, $0x6;
	v63 =	vsel vm0, $0x3F800000, v11;
	v14 =	vadd.f32 v61, v14;
	[tilespmem:$0x5030] =	vst v13  }
0x70: {  	vm15 =	veq.s32 v21, $0x7;
	v15 =	vsel vm14, $0x3F800000, v11;
	[tilespmem:$0x5040] =	vst v16;
	v17 =	vadd.f32 v63, v22  }
0x71: {  	v62 =	vadd.f32 v40, v20;
	v13 =	vsel vm15, $0x3F800000, v11;
	[tilespmem:$0x5050] =	vst v14;
	v15 =	vadd.f32 v15, v23  }
0x72: {  	v14 =	vsel vm1, $0x0, v12;
	v13 =	vadd.f32 v13, v19;
	[tilespmem:$0x5080] =	vst v17  }
0x73: {  	s10 =	sadd.s32 $0x1, s10;
	v14 =	vadd.f32 v14, v62;
	[tilespmem:$0x5060] =	vst v15  }
0x74: {  	p0 =	sne.s32 s10, s5;
	[tilespmem:$0x5070] =	vst v13  }
.Ltmp1:
0x75: {  	[tilespmem:$0x5090] =	vst v14;
	(pc) =	sbr.rel @p0 .LBB2_1-.Ltmp1, $4  }
0x76: {  	[hbm4b:s4+s7] =	stream.strided.scatter [tilespmem:s9], [sflag:$0x1], $0x100, s8, s7, $0x38;
	[tilespmem:$0x5100] =	vst v63  }
0x77: {  	_ =	swait.ge [sflag:s6], $0x100  }
0x78: {  	[sflag:s6] =	ssyncset.done $0x0  }
0x79: {  	[sflag:s6] =	ssyncadd.s32 $0xFFFFFF00  }
0x7a: {  	_ =	sfence.sel $0x180000  }
0x7b: {  	[bflag:$0x0] =	sbarrier.arrive $0xFFFF  }
0x7c: {  	p0 =	sne.s32 s0, $0x0;
	_ =	strace $0x90000047  }
0x7d: {  	s0 =	sadd.s32 @!p0 $0x100000, s1;
	[bflag:$0x2] =	sbarrier.arrive $0xFFFF  }
0x7e: {  	[sflag:s0] =	ssyncadd.tile.s32 @!p0 $0x1;
	_ =	shalt  }
.Lfunc_end2:
_tile_overlayer_lowered:
.L_overlay_start_2:
0x7f: {  	(tag) =	ssettag $0x2  }
0x80: {  	s0 =	rddreg [dreg:$0x0];
	s2 =	stileid.u32  }
0x81: {  	s1 =	rddreg [dreg:$0x1];
	p0 =	sne.s32 s2, $0x0  }
0x82: {  	s3 =	rddreg [dreg:$0x2];
	[bflag:$0x3] =	sbarrier.arrive $0xFFFF;
	s2 =	simm.s32 @!p0 $0x1C01  }
0x83: {  	[timem:s3], [sflag:s2] =	dma.local @!p0 [hbm:s0], s1  }
0x84: {  	s0 =	simm.s32 @!p0 $0x1  }
0x85: {  	_ =	swait.ge @!p0 [sflag:s0], s1  }
0x86: {  	s1 =	ssub.s32 @!p0 $0x0, s1;
	[sflag:s0] =	ssyncset.done @!p0 $0x0  }
0x87: {  	[sflag:s0] =	ssyncadd.s32 @!p0 s1  }
0x88: {  	[bflag:$0x3] =	sbarrier.arrive $0xFFFF  }
0x89: {  	_ =	shalt  }

</sc_bundles>
